<compile_context>
chip_gen: v7x
topology: tpu7x:2x2x1
jax: 0.10.2.dev20260603
libtpu: 0.0.44.dev20260713+nightly
codegen_flags: <defaults>
</compile_context>

<pallas_src>
import jax
import jax.numpy as jnp
from jax import lax
from jax.experimental import pallas as pl
from jax.experimental.pallas import tpu as pltpu
from jax.experimental.pallas import tpu_sc as plsc

N_NODES = 100000
BATCH = 8192
FDIM = 128

_NC = 2
_NS = 16
_NW = _NC * _NS

_CHUNK = 128
_HROWS_PER_W = BATCH // _NW
_HNCHUNK = _HROWS_PER_W // _CHUNK


def _sc_gather_body(table_hbm, idxs_hbm, idxd_hbm, outs_hbm, outd_hbm,
                    idxs_v, idxd_v, srows_v, drows_v, sem, sem2):
    wid = lax.axis_index("s") * _NC + lax.axis_index("c")
    base = wid * _HROWS_PER_W
    irow = wid * _HNCHUNK
    ic1 = pltpu.async_copy(idxs_hbm.at[pl.ds(irow, _HNCHUNK)], idxs_v, sem2)
    ic2 = pltpu.async_copy(idxd_hbm.at[pl.ds(irow, _HNCHUNK)], idxd_v, sem2)
    ic1.wait()
    ic2.wait()
    gathers = []
    for j in range(_HNCHUNK):
        gathers.append(
            pltpu.async_copy(
                table_hbm.at[idxs_v.at[j]],
                srows_v.at[pl.ds(j * _CHUNK, _CHUNK)],
                sem,
            )
        )
        gathers.append(
            pltpu.async_copy(
                table_hbm.at[idxd_v.at[j]],
                drows_v.at[pl.ds(j * _CHUNK, _CHUNK)],
                sem,
            )
        )
    writes = []
    for j in range(_HNCHUNK):
        gathers[2 * j].wait()
        writes.append(
            pltpu.async_copy(
                srows_v.at[pl.ds(j * _CHUNK, _CHUNK)],
                outs_hbm.at[pl.ds(base + j * _CHUNK, _CHUNK)],
                sem2,
            )
        )
        gathers[2 * j + 1].wait()
        writes.append(
            pltpu.async_copy(
                drows_v.at[pl.ds(j * _CHUNK, _CHUNK)],
                outd_hbm.at[pl.ds(base + j * _CHUNK, _CHUNK)],
                sem2,
            )
        )
    for c in writes:
        c.wait()


@jax.jit
def _sc_gather(table, idx_src, idx_dst):
    mesh = plsc.VectorSubcoreMesh(core_axis_name="c", subcore_axis_name="s")
    return pl.kernel(
        _sc_gather_body,
        out_type=(
            jax.ShapeDtypeStruct((BATCH, FDIM), jnp.float32),
            jax.ShapeDtypeStruct((BATCH, FDIM), jnp.float32),
        ),
        mesh=mesh,
        scratch_types=[
            pltpu.VMEM((_HNCHUNK, _CHUNK), jnp.int32),
            pltpu.VMEM((_HNCHUNK, _CHUNK), jnp.int32),
            pltpu.VMEM((_HROWS_PER_W, FDIM), jnp.float32),
            pltpu.VMEM((_HROWS_PER_W, FDIM), jnp.float32),
            pltpu.SemaphoreType.DMA,
            pltpu.SemaphoreType.DMA,
        ],
    )(table, idx_src, idx_dst)


_BM = 256


_BQ = 128


def _tc_main_body(difa_ref, difb_ref, difc_ref, difd_ref,
                  src_ref, dst_ref, w_ref, out_ref, t_ref):
    m = pl.program_id(0)

    @pl.when(m == 0)
    def _():
        t_ref[...] = jnp.dot(
            src_ref[...], w_ref[:FDIM],
            preferred_element_type=jnp.float32,
        )

    bias = jnp.dot(dst_ref[...], w_ref[FDIM:],
                   preferred_element_type=jnp.float32)
    for i, ref in enumerate((difa_ref, difb_ref, difc_ref, difd_ref)):
        agg = jnp.dot(ref[...], t_ref[...],
                      preferred_element_type=jnp.float32)
        out_ref[i * _BQ:(i + 1) * _BQ] = jnp.maximum(
            agg + bias[i * _BQ:(i + 1) * _BQ], 0.0)


@jax.jit
def _tc_main(dif_mat, src_rows, dst_rows, w):
    grid = (BATCH // (4 * _BQ),)
    return pl.pallas_call(
        _tc_main_body,
        grid=grid,
        in_specs=[
            pl.BlockSpec((_BQ, BATCH), lambda m: (4 * m, 0)),
            pl.BlockSpec((_BQ, BATCH), lambda m: (4 * m + 1, 0)),
            pl.BlockSpec((_BQ, BATCH), lambda m: (4 * m + 2, 0)),
            pl.BlockSpec((_BQ, BATCH), lambda m: (4 * m + 3, 0)),
            pl.BlockSpec((BATCH, FDIM), lambda m: (0, 0)),
            pl.BlockSpec((4 * _BQ, FDIM), lambda m: (m, 0)),
            pl.BlockSpec((2 * FDIM, FDIM), lambda m: (0, 0)),
        ],
        out_specs=pl.BlockSpec((4 * _BQ, FDIM), lambda m: (m, 0)),
        out_shape=jax.ShapeDtypeStruct((BATCH, FDIM), jnp.float32),
        scratch_shapes=[
            pltpu.VMEM((BATCH, FDIM), jnp.float32),
        ],
        compiler_params=pltpu.CompilerParams(
            dimension_semantics=("arbitrary",),
        ),
    )(dif_mat, dif_mat, dif_mat, dif_mat, src_rows, dst_rows, w)


def kernel(dstsrc_features, dstsrc2src, dstsrc2dst, dif_mat, w):
    idx_src = dstsrc2src.reshape(BATCH // _CHUNK, _CHUNK)
    idx_dst = dstsrc2dst.reshape(BATCH // _CHUNK, _CHUNK)
    src_rows, dst_rows = _sc_gather(dstsrc_features, idx_src, idx_dst)
    return _tc_main(dif_mat, src_rows, dst_rows, w)

# --- scband reference (transcript-rebuilt; emitter-appended) ---
"""Pipeline reference for scband-sage-mean-aggregator-16758962389080 (READ-ONLY COPY).

The authoritative reference and input builder live on the scoring server;
editing this copy changes nothing except your own understanding.
"""

import jax, jax.numpy as jnp
import numpy as np

N_NODES = 100000
BATCH = 8192
SRC_DIM = 128
DST_DIM = 128


def setup_inputs(seed: int = 0) -> dict:
    key = jax.random.key(seed)
    k1, k2, k3, k4, k5 = jax.random.split(key, 5)
    dstsrc_features = jax.random.normal(k1, (N_NODES, SRC_DIM), dtype=jnp.float32)
    dstsrc2src = jax.random.randint(k2, (BATCH,), 0, N_NODES, dtype=jnp.int32)
    dstsrc2dst = jax.random.randint(k3, (BATCH,), 0, N_NODES, dtype=jnp.int32)
    dif_mat = jax.random.normal(k4, (BATCH, BATCH), dtype=jnp.float32)
    # GlorotUniform for weight of shape (2*src_dim, dst_dim)
    fan_in, fan_out = 2 * SRC_DIM, DST_DIM
    limit = np.sqrt(6.0 / (fan_in + fan_out))
    w = jax.random.uniform(k5, (2 * SRC_DIM, DST_DIM), dtype=jnp.float32, minval=-limit, maxval=limit)
    return {
        "dstsrc_features": dstsrc_features,
        "dstsrc2src": dstsrc2src,
        "dstsrc2dst": dstsrc2dst,
        "dif_mat": dif_mat,
        "w": w,
    }


def reference(dstsrc_features, dstsrc2src, dstsrc2dst, dif_mat, w):
    dst_features = jnp.take(dstsrc_features, dstsrc2dst, axis=0)
    src_features = jnp.take(dstsrc_features, dstsrc2src, axis=0)
    aggregated_features = jnp.matmul(dif_mat, src_features)
    concatenated_features = jnp.concatenate([aggregated_features, dst_features], axis=1)
    x = jnp.matmul(concatenated_features, w)
    return jax.nn.relu(x)

if __name__ == "__main__":
    import jax
    _d = setup_inputs()
    print(jax.jit(kernel)(*tuple(_d.values())))

</pallas_src>

<mosaic_0001>
#map = affine_map<(d0, d1) -> (0, 0)>
module attributes {stable_mosaic.version = 14 : i64} {
  func.func @_sc_gather_body(%arg0: i32, %arg1: i32, %arg2: memref<100000x128xf32, #tpu.memory_space<hbm>>, %arg3: memref<64x128xi32, #tpu.memory_space<hbm>>, %arg4: memref<64x128xi32, #tpu.memory_space<hbm>>, %arg5: memref<8192x128xf32, #tpu.memory_space<hbm>>, %arg6: memref<8192x128xf32, #tpu.memory_space<hbm>>, %arg7: memref<2x128xi32, #tpu.memory_space<vmem>>, %arg8: memref<2x128xi32, #tpu.memory_space<vmem>>, %arg9: memref<256x128xf32, #tpu.memory_space<vmem>>, %arg10: memref<256x128xf32, #tpu.memory_space<vmem>>, %arg11: memref<!tpu.dma_semaphore, #tpu.memory_space<semaphore_mem>>, %arg12: memref<!tpu.dma_semaphore, #tpu.memory_space<semaphore_mem>>) attributes {dimension_semantics = [#tpu.dimension_semantics<core_parallel>, #tpu.dimension_semantics<subcore_parallel>], iteration_bounds = array<i64: 2, 16>, scalar_prefetch = 0 : i64, scratch_operands = 6 : i64, tpu.core_type = #tpu.core_type<sc_vector_subcore>, window_params = [{transform_indices = #map}, {transform_indices = #map}, {transform_indices = #map}, {transform_indices = #map}, {transform_indices = #map}]} {
    %mul3A = arith.constant 2 : i32
    %mul3A_0 = arith.muli %arg1, %mul3A : i32
    %add3A = arith.addi %mul3A_0, %arg0 : i32
    %mul3A_1 = arith.constant 256 : i32
    %mul3A_2 = arith.muli %add3A, %mul3A_1 : i32
    %mul3A_3 = arith.constant 2 : i32
    %mul3A_4 = arith.muli %add3A, %mul3A_3 : i32
    %dma_start3A = arith.constant 0 : i32
    %dma_start3A_5 = tpu.memref_slice %arg3[%mul3A_4, %dma_start3A] : memref<64x128xi32, #tpu.memory_space<hbm>> -> memref<2x128xi32, #tpu.memory_space<hbm>>
    %dma_start3A_6 = arith.constant 0 : i32
    %dma_start3A_7 = tpu.memref_slice %arg3[%mul3A_4, %dma_start3A_6] : memref<64x128xi32, #tpu.memory_space<hbm>> -> memref<2x128xi32, #tpu.memory_space<hbm>>
    tpu.enqueue_dma source(%dma_start3A_7 : memref<2x128xi32, #tpu.memory_space<hbm>>) target(%arg7 : memref<2x128xi32, #tpu.memory_space<vmem>>) target_semaphore(%arg12 : memref<!tpu.dma_semaphore, #tpu.memory_space<semaphore_mem>>)
    %dma_start3A_8 = arith.constant 0 : i32
    %dma_start3A_9 = tpu.memref_slice %arg4[%mul3A_4, %dma_start3A_8] : memref<64x128xi32, #tpu.memory_space<hbm>> -> memref<2x128xi32, #tpu.memory_space<hbm>>
    %dma_start3A_10 = arith.constant 0 : i32
    %dma_start3A_11 = tpu.memref_slice %arg4[%mul3A_4, %dma_start3A_10] : memref<64x128xi32, #tpu.memory_space<hbm>> -> memref<2x128xi32, #tpu.memory_space<hbm>>
    tpu.enqueue_dma source(%dma_start3A_11 : memref<2x128xi32, #tpu.memory_space<hbm>>) target(%arg8 : memref<2x128xi32, #tpu.memory_space<vmem>>) target_semaphore(%arg12 : memref<!tpu.dma_semaphore, #tpu.memory_space<semaphore_mem>>)
    %dma_wait3A = arith.constant 0 : i32
    %dma_wait3A_12 = tpu.memref_slice %arg3[%mul3A_4, %dma_wait3A] : memref<64x128xi32, #tpu.memory_space<hbm>> -> memref<2x128xi32, #tpu.memory_space<hbm>>
    %dma_wait3A_13 = arith.constant 0 : i32
    %dma_wait3A_14 = tpu.memref_slice %arg3[%mul3A_4, %dma_wait3A_13] : memref<64x128xi32, #tpu.memory_space<hbm>> -> memref<2x128xi32, #tpu.memory_space<hbm>>
    tpu.wait_dma2 semaphore(%arg12 : memref<!tpu.dma_semaphore, #tpu.memory_space<semaphore_mem>>) src(%dma_wait3A_14 : memref<2x128xi32, #tpu.memory_space<hbm>>) dst(%arg7 : memref<2x128xi32, #tpu.memory_space<vmem>>)
    %dma_wait3A_15 = arith.constant 0 : i32
    %dma_wait3A_16 = tpu.memref_slice %arg4[%mul3A_4, %dma_wait3A_15] : memref<64x128xi32, #tpu.memory_space<hbm>> -> memref<2x128xi32, #tpu.memory_space<hbm>>
    %dma_wait3A_17 = arith.constant 0 : i32
    %dma_wait3A_18 = tpu.memref_slice %arg4[%mul3A_4, %dma_wait3A_17] : memref<64x128xi32, #tpu.memory_space<hbm>> -> memref<2x128xi32, #tpu.memory_space<hbm>>
    tpu.wait_dma2 semaphore(%arg12 : memref<!tpu.dma_semaphore, #tpu.memory_space<semaphore_mem>>) src(%dma_wait3A_18 : memref<2x128xi32, #tpu.memory_space<hbm>>) dst(%arg8 : memref<2x128xi32, #tpu.memory_space<vmem>>)
    %dma_start3A_19 = arith.constant 0 : i32
    %dma_start3A_20 = arith.constant 0 : i32
    %dma_start3A_21 = arith.constant 0 : i32
    %dma_start3A_22 = tpu.memref_slice %arg9[%dma_start3A_20, %dma_start3A_21] : memref<256x128xf32, #tpu.memory_space<vmem>> -> memref<128x128xf32, #tpu.memory_space<vmem>>
    %dma_start3A_23 = arith.constant 0 : i32
    %dma_start3A_24 = tpu.memref_slice %arg7[%dma_start3A_19, %dma_start3A_23] : memref<2x128xi32, #tpu.memory_space<vmem>> -> memref<1x128xi32, #tpu.memory_space<vmem>>
    %dma_start3A_25 = tpu.memref_squeeze %dma_start3A_24 : memref<1x128xi32, #tpu.memory_space<vmem>> -> memref<128xi32, #tpu.memory_space<vmem>>
    %dma_start3A_26 = arith.constant 0 : i32
    %dma_start3A_27 = arith.constant 0 : i32
    %dma_start3A_28 = tpu.memref_slice %arg2[%dma_start3A_26, %dma_start3A_27] : memref<100000x128xf32, #tpu.memory_space<hbm>> -> memref<100000x128xf32, #tpu.memory_space<hbm>>
    tpu.enqueue_indirect_dma source(%dma_start3A_28 : memref<100000x128xf32, #tpu.memory_space<hbm>>) target(%dma_start3A_22 : memref<128x128xf32, #tpu.memory_space<vmem>>) offsets(%dma_start3A_25 : memref<128xi32, #tpu.memory_space<vmem>>) semaphore(%arg11 : memref<!tpu.dma_semaphore, #tpu.memory_space<semaphore_mem>>)
    %dma_start3A_29 = arith.constant 0 : i32
    %dma_start3A_30 = arith.constant 0 : i32
    %dma_start3A_31 = arith.constant 0 : i32
    %dma_start3A_32 = tpu.memref_slice %arg10[%dma_start3A_30, %dma_start3A_31] : memref<256x128xf32, #tpu.memory_space<vmem>> -> memref<128x128xf32, #tpu.memory_space<vmem>>
    %dma_start3A_33 = arith.constant 0 : i32
    %dma_start3A_34 = tpu.memref_slice %arg8[%dma_start3A_29, %dma_start3A_33] : memref<2x128xi32, #tpu.memory_space<vmem>> -> memref<1x128xi32, #tpu.memory_space<vmem>>
    %dma_start3A_35 = tpu.memref_squeeze %dma_start3A_34 : memref<1x128xi32, #tpu.memory_space<vmem>> -> memref<128xi32, #tpu.memory_space<vmem>>
    %dma_start3A_36 = arith.constant 0 : i32
    %dma_start3A_37 = arith.constant 0 : i32
    %dma_start3A_38 = tpu.memref_slice %arg2[%dma_start3A_36, %dma_start3A_37] : memref<100000x128xf32, #tpu.memory_space<hbm>> -> memref<100000x128xf32, #tpu.memory_space<hbm>>
    tpu.enqueue_indirect_dma source(%dma_start3A_38 : memref<100000x128xf32, #tpu.memory_space<hbm>>) target(%dma_start3A_32 : memref<128x128xf32, #tpu.memory_space<vmem>>) offsets(%dma_start3A_35 : memref<128xi32, #tpu.memory_space<vmem>>) semaphore(%arg11 : memref<!tpu.dma_semaphore, #tpu.memory_space<semaphore_mem>>)
    %dma_start3A_39 = arith.constant 1 : i32
    %dma_start3A_40 = arith.constant 128 : i32
    %dma_start3A_41 = arith.constant 0 : i32
    %dma_start3A_42 = tpu.memref_slice %arg9[%dma_start3A_40, %dma_start3A_41] : memref<256x128xf32, #tpu.memory_space<vmem>> -> memref<128x128xf32, #tpu.memory_space<vmem>>
    %dma_start3A_43 = arith.constant 0 : i32
    %dma_start3A_44 = tpu.memref_slice %arg7[%dma_start3A_39, %dma_start3A_43] : memref<2x128xi32, #tpu.memory_space<vmem>> -> memref<1x128xi32, #tpu.memory_space<vmem>>
    %dma_start3A_45 = tpu.memref_squeeze %dma_start3A_44 : memref<1x128xi32, #tpu.memory_space<vmem>> -> memref<128xi32, #tpu.memory_space<vmem>>
    %dma_start3A_46 = arith.constant 0 : i32
    %dma_start3A_47 = arith.constant 0 : i32
    %dma_start3A_48 = tpu.memref_slice %arg2[%dma_start3A_46, %dma_start3A_47] : memref<100000x128xf32, #tpu.memory_space<hbm>> -> memref<100000x128xf32, #tpu.memory_space<hbm>>
    tpu.enqueue_indirect_dma source(%dma_start3A_48 : memref<100000x128xf32, #tpu.memory_space<hbm>>) target(%dma_start3A_42 : memref<128x128xf32, #tpu.memory_space<vmem>>) offsets(%dma_start3A_45 : memref<128xi32, #tpu.memory_space<vmem>>) semaphore(%arg11 : memref<!tpu.dma_semaphore, #tpu.memory_space<semaphore_mem>>)
    %dma_start3A_49 = arith.constant 1 : i32
    %dma_start3A_50 = arith.constant 128 : i32
    %dma_start3A_51 = arith.constant 0 : i32
    %dma_start3A_52 = tpu.memref_slice %arg10[%dma_start3A_50, %dma_start3A_51] : memref<256x128xf32, #tpu.memory_space<vmem>> -> memref<128x128xf32, #tpu.memory_space<vmem>>
    %dma_start3A_53 = arith.constant 0 : i32
    %dma_start3A_54 = tpu.memref_slice %arg8[%dma_start3A_49, %dma_start3A_53] : memref<2x128xi32, #tpu.memory_space<vmem>> -> memref<1x128xi32, #tpu.memory_space<vmem>>
    %dma_start3A_55 = tpu.memref_squeeze %dma_start3A_54 : memref<1x128xi32, #tpu.memory_space<vmem>> -> memref<128xi32, #tpu.memory_space<vmem>>
    %dma_start3A_56 = arith.constant 0 : i32
    %dma_start3A_57 = arith.constant 0 : i32
    %dma_start3A_58 = tpu.memref_slice %arg2[%dma_start3A_56, %dma_start3A_57] : memref<100000x128xf32, #tpu.memory_space<hbm>> -> memref<100000x128xf32, #tpu.memory_space<hbm>>
    tpu.enqueue_indirect_dma source(%dma_start3A_58 : memref<100000x128xf32, #tpu.memory_space<hbm>>) target(%dma_start3A_52 : memref<128x128xf32, #tpu.memory_space<vmem>>) offsets(%dma_start3A_55 : memref<128xi32, #tpu.memory_space<vmem>>) semaphore(%arg11 : memref<!tpu.dma_semaphore, #tpu.memory_space<semaphore_mem>>)
    %dma_wait3A_59 = arith.constant 0 : i32
    %dma_wait3A_60 = arith.constant 0 : i32
    %dma_wait3A_61 = arith.constant 0 : i32
    %dma_wait3A_62 = tpu.memref_slice %arg9[%dma_wait3A_60, %dma_wait3A_61] : memref<256x128xf32, #tpu.memory_space<vmem>> -> memref<128x128xf32, #tpu.memory_space<vmem>>
    %dma_wait3A_63 = arith.constant 0 : i32
    %dma_wait3A_64 = tpu.memref_slice %arg7[%dma_wait3A_59, %dma_wait3A_63] : memref<2x128xi32, #tpu.memory_space<vmem>> -> memref<1x128xi32, #tpu.memory_space<vmem>>
    %dma_wait3A_65 = tpu.memref_squeeze %dma_wait3A_64 : memref<1x128xi32, #tpu.memory_space<vmem>> -> memref<128xi32, #tpu.memory_space<vmem>>
    %dma_wait3A_66 = arith.constant 0 : i32
    %dma_wait3A_67 = arith.constant 0 : i32
    %dma_wait3A_68 = tpu.memref_slice %arg2[%dma_wait3A_66, %dma_wait3A_67] : memref<100000x128xf32, #tpu.memory_space<hbm>> -> memref<100000x128xf32, #tpu.memory_space<hbm>>
    tpu.wait_indirect_dma semaphore(%arg11 : memref<!tpu.dma_semaphore, #tpu.memory_space<semaphore_mem>>) src(%dma_wait3A_68 : memref<100000x128xf32, #tpu.memory_space<hbm>>) dst(%dma_wait3A_62 : memref<128x128xf32, #tpu.memory_space<vmem>>)
    %add3A_69 = arith.constant 0 : i32
    %add3A_70 = arith.addi %mul3A_2, %add3A_69 : i32
    %dma_start3A_71 = arith.constant 0 : i32
    %dma_start3A_72 = arith.constant 0 : i32
    %dma_start3A_73 = tpu.memref_slice %arg9[%dma_start3A_71, %dma_start3A_72] : memref<256x128xf32, #tpu.memory_space<vmem>> -> memref<128x128xf32, #tpu.memory_space<vmem>>
    %dma_start3A_74 = arith.constant 0 : i32
    %dma_start3A_75 = tpu.memref_slice %arg5[%add3A_70, %dma_start3A_74] : memref<8192x128xf32, #tpu.memory_space<hbm>> -> memref<128x128xf32, #tpu.memory_space<hbm>>
    %dma_start3A_76 = arith.constant 0 : i32
    %dma_start3A_77 = tpu.memref_slice %arg5[%add3A_70, %dma_start3A_76] : memref<8192x128xf32, #tpu.memory_space<hbm>> -> memref<128x128xf32, #tpu.memory_space<hbm>>
    %dma_start3A_78 = arith.constant 0 : i32
    %dma_start3A_79 = arith.constant 0 : i32
    %dma_start3A_80 = tpu.memref_slice %arg9[%dma_start3A_78, %dma_start3A_79] : memref<256x128xf32, #tpu.memory_space<vmem>> -> memref<128x128xf32, #tpu.memory_space<vmem>>
    tpu.enqueue_dma source(%dma_start3A_80 : memref<128x128xf32, #tpu.memory_space<vmem>>) target(%dma_start3A_77 : memref<128x128xf32, #tpu.memory_space<hbm>>) target_semaphore(%arg12 : memref<!tpu.dma_semaphore, #tpu.memory_space<semaphore_mem>>)
    %dma_wait3A_81 = arith.constant 0 : i32
    %dma_wait3A_82 = arith.constant 0 : i32
    %dma_wait3A_83 = arith.constant 0 : i32
    %dma_wait3A_84 = tpu.memref_slice %arg10[%dma_wait3A_82, %dma_wait3A_83] : memref<256x128xf32, #tpu.memory_space<vmem>> -> memref<128x128xf32, #tpu.memory_space<vmem>>
    %dma_wait3A_85 = arith.constant 0 : i32
    %dma_wait3A_86 = tpu.memref_slice %arg8[%dma_wait3A_81, %dma_wait3A_85] : memref<2x128xi32, #tpu.memory_space<vmem>> -> memref<1x128xi32, #tpu.memory_space<vmem>>
    %dma_wait3A_87 = tpu.memref_squeeze %dma_wait3A_86 : memref<1x128xi32, #tpu.memory_space<vmem>> -> memref<128xi32, #tpu.memory_space<vmem>>
    %dma_wait3A_88 = arith.constant 0 : i32
    %dma_wait3A_89 = arith.constant 0 : i32
    %dma_wait3A_90 = tpu.memref_slice %arg2[%dma_wait3A_88, %dma_wait3A_89] : memref<100000x128xf32, #tpu.memory_space<hbm>> -> memref<100000x128xf32, #tpu.memory_space<hbm>>
    tpu.wait_indirect_dma semaphore(%arg11 : memref<!tpu.dma_semaphore, #tpu.memory_space<semaphore_mem>>) src(%dma_wait3A_90 : memref<100000x128xf32, #tpu.memory_space<hbm>>) dst(%dma_wait3A_84 : memref<128x128xf32, #tpu.memory_space<vmem>>)
    %add3A_91 = arith.constant 0 : i32
    %add3A_92 = arith.addi %mul3A_2, %add3A_91 : i32
    %dma_start3A_93 = arith.constant 0 : i32
    %dma_start3A_94 = arith.constant 0 : i32
    %dma_start3A_95 = tpu.memref_slice %arg10[%dma_start3A_93, %dma_start3A_94] : memref<256x128xf32, #tpu.memory_space<vmem>> -> memref<128x128xf32, #tpu.memory_space<vmem>>
    %dma_start3A_96 = arith.constant 0 : i32
    %dma_start3A_97 = tpu.memref_slice %arg6[%add3A_92, %dma_start3A_96] : memref<8192x128xf32, #tpu.memory_space<hbm>> -> memref<128x128xf32, #tpu.memory_space<hbm>>
    %dma_start3A_98 = arith.constant 0 : i32
    %dma_start3A_99 = tpu.memref_slice %arg6[%add3A_92, %dma_start3A_98] : memref<8192x128xf32, #tpu.memory_space<hbm>> -> memref<128x128xf32, #tpu.memory_space<hbm>>
    %dma_start3A_100 = arith.constant 0 : i32
    %dma_start3A_101 = arith.constant 0 : i32
    %dma_start3A_102 = tpu.memref_slice %arg10[%dma_start3A_100, %dma_start3A_101] : memref<256x128xf32, #tpu.memory_space<vmem>> -> memref<128x128xf32, #tpu.memory_space<vmem>>
    tpu.enqueue_dma source(%dma_start3A_102 : memref<128x128xf32, #tpu.memory_space<vmem>>) target(%dma_start3A_99 : memref<128x128xf32, #tpu.memory_space<hbm>>) target_semaphore(%arg12 : memref<!tpu.dma_semaphore, #tpu.memory_space<semaphore_mem>>)
    %dma_wait3A_103 = arith.constant 1 : i32
    %dma_wait3A_104 = arith.constant 128 : i32
    %dma_wait3A_105 = arith.constant 0 : i32
    %dma_wait3A_106 = tpu.memref_slice %arg9[%dma_wait3A_104, %dma_wait3A_105] : memref<256x128xf32, #tpu.memory_space<vmem>> -> memref<128x128xf32, #tpu.memory_space<vmem>>
    %dma_wait3A_107 = arith.constant 0 : i32
    %dma_wait3A_108 = tpu.memref_slice %arg7[%dma_wait3A_103, %dma_wait3A_107] : memref<2x128xi32, #tpu.memory_space<vmem>> -> memref<1x128xi32, #tpu.memory_space<vmem>>
    %dma_wait3A_109 = tpu.memref_squeeze %dma_wait3A_108 : memref<1x128xi32, #tpu.memory_space<vmem>> -> memref<128xi32, #tpu.memory_space<vmem>>
    %dma_wait3A_110 = arith.constant 0 : i32
    %dma_wait3A_111 = arith.constant 0 : i32
    %dma_wait3A_112 = tpu.memref_slice %arg2[%dma_wait3A_110, %dma_wait3A_111] : memref<100000x128xf32, #tpu.memory_space<hbm>> -> memref<100000x128xf32, #tpu.memory_space<hbm>>
    tpu.wait_indirect_dma semaphore(%arg11 : memref<!tpu.dma_semaphore, #tpu.memory_space<semaphore_mem>>) src(%dma_wait3A_112 : memref<100000x128xf32, #tpu.memory_space<hbm>>) dst(%dma_wait3A_106 : memref<128x128xf32, #tpu.memory_space<vmem>>)
    %add3A_113 = arith.constant 128 : i32
    %add3A_114 = arith.addi %mul3A_2, %add3A_113 : i32
    %dma_start3A_115 = arith.constant 128 : i32
    %dma_start3A_116 = arith.constant 0 : i32
    %dma_start3A_117 = tpu.memref_slice %arg9[%dma_start3A_115, %dma_start3A_116] : memref<256x128xf32, #tpu.memory_space<vmem>> -> memref<128x128xf32, #tpu.memory_space<vmem>>
    %dma_start3A_118 = arith.constant 0 : i32
    %dma_start3A_119 = tpu.memref_slice %arg5[%add3A_114, %dma_start3A_118] : memref<8192x128xf32, #tpu.memory_space<hbm>> -> memref<128x128xf32, #tpu.memory_space<hbm>>
    %dma_start3A_120 = arith.constant 0 : i32
    %dma_start3A_121 = tpu.memref_slice %arg5[%add3A_114, %dma_start3A_120] : memref<8192x128xf32, #tpu.memory_space<hbm>> -> memref<128x128xf32, #tpu.memory_space<hbm>>
    %dma_start3A_122 = arith.constant 128 : i32
    %dma_start3A_123 = arith.constant 0 : i32
    %dma_start3A_124 = tpu.memref_slice %arg9[%dma_start3A_122, %dma_start3A_123] : memref<256x128xf32, #tpu.memory_space<vmem>> -> memref<128x128xf32, #tpu.memory_space<vmem>>
    tpu.enqueue_dma source(%dma_start3A_124 : memref<128x128xf32, #tpu.memory_space<vmem>>) target(%dma_start3A_121 : memref<128x128xf32, #tpu.memory_space<hbm>>) target_semaphore(%arg12 : memref<!tpu.dma_semaphore, #tpu.memory_space<semaphore_mem>>)
    %dma_wait3A_125 = arith.constant 1 : i32
    %dma_wait3A_126 = arith.constant 128 : i32
    %dma_wait3A_127 = arith.constant 0 : i32
    %dma_wait3A_128 = tpu.memref_slice %arg10[%dma_wait3A_126, %dma_wait3A_127] : memref<256x128xf32, #tpu.memory_space<vmem>> -> memref<128x128xf32, #tpu.memory_space<vmem>>
    %dma_wait3A_129 = arith.constant 0 : i32
    %dma_wait3A_130 = tpu.memref_slice %arg8[%dma_wait3A_125, %dma_wait3A_129] : memref<2x128xi32, #tpu.memory_space<vmem>> -> memref<1x128xi32, #tpu.memory_space<vmem>>
    %dma_wait3A_131 = tpu.memref_squeeze %dma_wait3A_130 : memref<1x128xi32, #tpu.memory_space<vmem>> -> memref<128xi32, #tpu.memory_space<vmem>>
    %dma_wait3A_132 = arith.constant 0 : i32
    %dma_wait3A_133 = arith.constant 0 : i32
    %dma_wait3A_134 = tpu.memref_slice %arg2[%dma_wait3A_132, %dma_wait3A_133] : memref<100000x128xf32, #tpu.memory_space<hbm>> -> memref<100000x128xf32, #tpu.memory_space<hbm>>
    tpu.wait_indirect_dma semaphore(%arg11 : memref<!tpu.dma_semaphore, #tpu.memory_space<semaphore_mem>>) src(%dma_wait3A_134 : memref<100000x128xf32, #tpu.memory_space<hbm>>) dst(%dma_wait3A_128 : memref<128x128xf32, #tpu.memory_space<vmem>>)
    %add3A_135 = arith.constant 128 : i32
    %add3A_136 = arith.addi %mul3A_2, %add3A_135 : i32
    %dma_start3A_137 = arith.constant 128 : i32
    %dma_start3A_138 = arith.constant 0 : i32
    %dma_start3A_139 = tpu.memref_slice %arg10[%dma_start3A_137, %dma_start3A_138] : memref<256x128xf32, #tpu.memory_space<vmem>> -> memref<128x128xf32, #tpu.memory_space<vmem>>
    %dma_start3A_140 = arith.constant 0 : i32
    %dma_start3A_141 = tpu.memref_slice %arg6[%add3A_136, %dma_start3A_140] : memref<8192x128xf32, #tpu.memory_space<hbm>> -> memref<128x128xf32, #tpu.memory_space<hbm>>
    %dma_start3A_142 = arith.constant 0 : i32
    %dma_start3A_143 = tpu.memref_slice %arg6[%add3A_136, %dma_start3A_142] : memref<8192x128xf32, #tpu.memory_space<hbm>> -> memref<128x128xf32, #tpu.memory_space<hbm>>
    %dma_start3A_144 = arith.constant 128 : i32
    %dma_start3A_145 = arith.constant 0 : i32
    %dma_start3A_146 = tpu.memref_slice %arg10[%dma_start3A_144, %dma_start3A_145] : memref<256x128xf32, #tpu.memory_space<vmem>> -> memref<128x128xf32, #tpu.memory_space<vmem>>
    tpu.enqueue_dma source(%dma_start3A_146 : memref<128x128xf32, #tpu.memory_space<vmem>>) target(%dma_start3A_143 : memref<128x128xf32, #tpu.memory_space<hbm>>) target_semaphore(%arg12 : memref<!tpu.dma_semaphore, #tpu.memory_space<semaphore_mem>>)
    %dma_wait3A_147 = arith.constant 0 : i32
    %dma_wait3A_148 = arith.constant 0 : i32
    %dma_wait3A_149 = tpu.memref_slice %arg9[%dma_wait3A_147, %dma_wait3A_148] : memref<256x128xf32, #tpu.memory_space<vmem>> -> memref<128x128xf32, #tpu.memory_space<vmem>>
    %dma_wait3A_150 = arith.constant 0 : i32
    %dma_wait3A_151 = tpu.memref_slice %arg5[%add3A_70, %dma_wait3A_150] : memref<8192x128xf32, #tpu.memory_space<hbm>> -> memref<128x128xf32, #tpu.memory_space<hbm>>
    %dma_wait3A_152 = arith.constant 0 : i32
    %dma_wait3A_153 = tpu.memref_slice %arg5[%add3A_70, %dma_wait3A_152] : memref<8192x128xf32, #tpu.memory_space<hbm>> -> memref<128x128xf32, #tpu.memory_space<hbm>>
    %dma_wait3A_154 = arith.constant 0 : i32
    %dma_wait3A_155 = arith.constant 0 : i32
    %dma_wait3A_156 = tpu.memref_slice %arg9[%dma_wait3A_154, %dma_wait3A_155] : memref<256x128xf32, #tpu.memory_space<vmem>> -> memref<128x128xf32, #tpu.memory_space<vmem>>
    tpu.wait_dma2 semaphore(%arg12 : memref<!tpu.dma_semaphore, #tpu.memory_space<semaphore_mem>>) src(%dma_wait3A_156 : memref<128x128xf32, #tpu.memory_space<vmem>>) dst(%dma_wait3A_153 : memref<128x128xf32, #tpu.memory_space<hbm>>)
    %dma_wait3A_157 = arith.constant 0 : i32
    %dma_wait3A_158 = arith.constant 0 : i32
    %dma_wait3A_159 = tpu.memref_slice %arg10[%dma_wait3A_157, %dma_wait3A_158] : memref<256x128xf32, #tpu.memory_space<vmem>> -> memref<128x128xf32, #tpu.memory_space<vmem>>
    %dma_wait3A_160 = arith.constant 0 : i32
    %dma_wait3A_161 = tpu.memref_slice %arg6[%add3A_92, %dma_wait3A_160] : memref<8192x128xf32, #tpu.memory_space<hbm>> -> memref<128x128xf32, #tpu.memory_space<hbm>>
    %dma_wait3A_162 = arith.constant 0 : i32
    %dma_wait3A_163 = tpu.memref_slice %arg6[%add3A_92, %dma_wait3A_162] : memref<8192x128xf32, #tpu.memory_space<hbm>> -> memref<128x128xf32, #tpu.memory_space<hbm>>
    %dma_wait3A_164 = arith.constant 0 : i32
    %dma_wait3A_165 = arith.constant 0 : i32
    %dma_wait3A_166 = tpu.memref_slice %arg10[%dma_wait3A_164, %dma_wait3A_165] : memref<256x128xf32, #tpu.memory_space<vmem>> -> memref<128x128xf32, #tpu.memory_space<vmem>>
    tpu.wait_dma2 semaphore(%arg12 : memref<!tpu.dma_semaphore, #tpu.memory_space<semaphore_mem>>) src(%dma_wait3A_166 : memref<128x128xf32, #tpu.memory_space<vmem>>) dst(%dma_wait3A_163 : memref<128x128xf32, #tpu.memory_space<hbm>>)
    %dma_wait3A_167 = arith.constant 128 : i32
    %dma_wait3A_168 = arith.constant 0 : i32
    %dma_wait3A_169 = tpu.memref_slice %arg9[%dma_wait3A_167, %dma_wait3A_168] : memref<256x128xf32, #tpu.memory_space<vmem>> -> memref<128x128xf32, #tpu.memory_space<vmem>>
    %dma_wait3A_170 = arith.constant 0 : i32
    %dma_wait3A_171 = tpu.memref_slice %arg5[%add3A_114, %dma_wait3A_170] : memref<8192x128xf32, #tpu.memory_space<hbm>> -> memref<128x128xf32, #tpu.memory_space<hbm>>
    %dma_wait3A_172 = arith.constant 0 : i32
    %dma_wait3A_173 = tpu.memref_slice %arg5[%add3A_114, %dma_wait3A_172] : memref<8192x128xf32, #tpu.memory_space<hbm>> -> memref<128x128xf32, #tpu.memory_space<hbm>>
    %dma_wait3A_174 = arith.constant 128 : i32
    %dma_wait3A_175 = arith.constant 0 : i32
    %dma_wait3A_176 = tpu.memref_slice %arg9[%dma_wait3A_174, %dma_wait3A_175] : memref<256x128xf32, #tpu.memory_space<vmem>> -> memref<128x128xf32, #tpu.memory_space<vmem>>
    tpu.wait_dma2 semaphore(%arg12 : memref<!tpu.dma_semaphore, #tpu.memory_space<semaphore_mem>>) src(%dma_wait3A_176 : memref<128x128xf32, #tpu.memory_space<vmem>>) dst(%dma_wait3A_173 : memref<128x128xf32, #tpu.memory_space<hbm>>)
    %dma_wait3A_177 = arith.constant 128 : i32
    %dma_wait3A_178 = arith.constant 0 : i32
    %dma_wait3A_179 = tpu.memref_slice %arg10[%dma_wait3A_177, %dma_wait3A_178] : memref<256x128xf32, #tpu.memory_space<vmem>> -> memref<128x128xf32, #tpu.memory_space<vmem>>
    %dma_wait3A_180 = arith.constant 0 : i32
    %dma_wait3A_181 = tpu.memref_slice %arg6[%add3A_136, %dma_wait3A_180] : memref<8192x128xf32, #tpu.memory_space<hbm>> -> memref<128x128xf32, #tpu.memory_space<hbm>>
    %dma_wait3A_182 = arith.constant 0 : i32
    %dma_wait3A_183 = tpu.memref_slice %arg6[%add3A_136, %dma_wait3A_182] : memref<8192x128xf32, #tpu.memory_space<hbm>> -> memref<128x128xf32, #tpu.memory_space<hbm>>
    %dma_wait3A_184 = arith.constant 128 : i32
    %dma_wait3A_185 = arith.constant 0 : i32
    %dma_wait3A_186 = tpu.memref_slice %arg10[%dma_wait3A_184, %dma_wait3A_185] : memref<256x128xf32, #tpu.memory_space<vmem>> -> memref<128x128xf32, #tpu.memory_space<vmem>>
    tpu.wait_dma2 semaphore(%arg12 : memref<!tpu.dma_semaphore, #tpu.memory_space<semaphore_mem>>) src(%dma_wait3A_186 : memref<128x128xf32, #tpu.memory_space<vmem>>) dst(%dma_wait3A_183 : memref<128x128xf32, #tpu.memory_space<hbm>>)
    return
  }
}

</mosaic_0001>

<sc_bundles>
// kernel: _sc_gather.3.cloned.1.call-start
scs
__scs_entry_jumppad:
0x0: {  	(pc) =	sbr.rel $0x88, $3  }
0x1: {  	(tag) =	ssettag $0x0;
	lr =	simm.s32 $0x1  }
0x2: {  	[smem:$0x3F9E] =	sst lr;
	_ =	strace $0xD0000000  }
0x3: {  	_ = 	snop  }
0x4: {  	_ = 	snop  }
0x5: {  	_ = 	snop  }
0x6: {  	_ = 	snop  }
0x7: {  	_ = 	snop  }
__scs_overlays_trampoline_lowered:
0x8: {  	[smem:$0x3FAD] =	sst s0  }
0x9: {  	[smem:$0x3FAE] =	sst s1  }
0xa: {  	[smem:$0x3FAF] =	sst s2  }
0xb: {  	[smem:$0x3FB0] =	sst s3  }
0xc: {  	[smem:$0x3FB1] =	sst s4  }
0xd: {  	[smem:$0x3FB2] =	sst s5  }
0xe: {  	[smem:$0x3FB3] =	sst s6  }
0xf: {  	[smem:$0x3FB4] =	sst s7  }
0x10: {  	[smem:$0x3FB5] =	sst s8  }
0x11: {  	[smem:$0x3FB6] =	sst s9;
	s0 =	simm.s32 @!p0 $0x0  }
0x12: {  	s1 =	sld [smem:$0x3F9C];
	s0 =	simm.s32 @p0 $0x1  }
0x13: {  	[smem:$0x3FB7] =	sst s0;
	s0 =	simm.s32 @!p1 $0x0  }
0x14: {  	s2 =	sld [smem:$0x3F9B];
	s0 =	simm.s32 @p1 $0x1  }
0x15: {  	[smem:$0x3FB8] =	sst s0;
	s0 =	simm.s32 @!p2 $0x0  }
0x16: {  	s3 =	sld [smem:$0x3FDB];
	s0 =	simm.s32 @p2 $0x1  }
0x17: {  	s4 =	simm.s32 $0x1BF5;
	[smem:$0x3FBA] =	sst s0  }
0x18: {  	s0 =	sld [smem:$0x3F9D];
	_ =	swait.ge [sflag:s4], $0x0  }
0x19: {  	s7 =	sld [smem:$0x3F9E]  }
0x1a: {  	s8 =	sadd.s32 $0xFFFFE003, lr  }
0x1b: {  	s9 =	sadd.s32 $0xFFFFFEF7, lr;
	s5 =	simm.s32 $0xFFFFFFFF;
	p2 =	slt.u32 s8, $0xFFFFF086  }
0x1c: {  	p1 =	slt.u32 s9, $0xF7A;
	s5 =	simm.s32 @!p2 $0x0  }
0x1d: {  	s5 =	simm.s32 @p1 $0x1;
	p0 =	seq.s32 s7, s2  }
0x1e: {  	s7 =	smul.u32 @!p0 $0xF7A, s2;
	p2 =	seq.s32 @!p0 s5, $0x0  }
0x1f: {  	s9 =	smul.u32 $0xF7A, s1;
	s8 =	simm.s32 @!p0 $0x1BF5;
	p2 =	por !p2, p0  }
0x20: {  	[sflag:s8] =	ssyncset.s32 @!p0 $0xFFFFF086;
	s6 =	sadd.s32 @!p0 s3, s7;
	s7 =	simm.s32 @!p0 $0x108  }
0x21: {  	s3 =	sadd.s32 s3, s9;
	s6 =	sadd.s32 @!p0 $0x88, s6;
	s7 =	simm.s32 @p2 $0x1082  }
0x22: {  	[simem:s7], [sflag:s8] =	dma.local @!p0 [hbm:s6], $0xF7A  }
0x23: {  	s9 =	sor.u32 $0xD0000000, s2;
	s6 =	simm.s32 $0x108;
	_ =	swait.ge @!p0 [sflag:s8], $0x0  }
0x24: {  	s3 =	sadd.s32 $0x88, s3;
	s6 =	simm.s32 @!p1 $0x1082;
	[sflag:s4] =	ssyncset.s32 $0xFFFFF086  }
0x25: {  	[simem:s6], [sflag:s4] =	dma.local [hbm:s3], $0xF7A  }
0x26: {  	[smem:$0x3F9E] =	sst s1;
	(tag) =	ssettag s2;
	_ =	strace s9  }
0x27: {  	s1 =	sld [smem:$0x3FAE]  }
0x28: {  	s2 =	sld [smem:$0x3FAF]  }
0x29: {  	s4 =	sld [smem:$0x3FB1]  }
0x2a: {  	p0 =	seq.s32 s5, $0x0;
	s5 =	sld [smem:$0x3FB2]  }
0x2b: {  	s6 =	sld [smem:$0x3FB3]  }
0x2c: {  	s7 =	sld [smem:$0x3FB4]  }
0x2d: {  	s3 =	simm.s32 $0x108;
	s8 =	sld [smem:$0x3FB5]  }
0x2e: {  	s3 =	simm.s32 @!p0 $0x1082;
	s9 =	sld [smem:$0x3FB6]  }
0x2f: {  	lr =	sadd.s32 s0, s3;
	s0 =	sld [smem:$0x3FAD]  }
0x30: {  	s3 =	sld [smem:$0x3FB0]  }
0x31: {  	[smem:$0x3FB9] =	sst s10  }
0x32: {  	s10 =	sld [smem:$0x3FB7];
	_ =	sdelay $0x3  }
0x33: {  	p0 =	seq.s32 s10, $0x1;
	s10 =	sld [smem:$0x3FB9];
	_ =	sdelay $0x3  }
0x34: {  	[smem:$0x3FB9] =	sst s10  }
0x35: {  	s10 =	sld [smem:$0x3FB8];
	_ =	sdelay $0x3  }
0x36: {  	p1 =	seq.s32 s10, $0x1;
	s10 =	sld [smem:$0x3FB9];
	_ =	sdelay $0x3  }
0x37: {  	[smem:$0x3FB9] =	sst s10  }
0x38: {  	s10 =	sld [smem:$0x3FBA]  }
0x39: {  	_ = 	snop;
	(pc) =	sbr.ind lr, $3  }
0x3a: {  	_ = 	snop  }
0x3b: {  	_ = 	snop  }
0x3c: {  	p2 =	seq.s32 s10, $0x1;
	s10 =	sld [smem:$0x3FB9]  }
0x3d: {  	_ =	shalt  }
0x3e: {  	_ =	shalt  }
0x3f: {  	_ =	shalt  }
0x40: {  	_ =	shalt  }
0x41: {  	_ =	shalt  }
0x42: {  	_ =	shalt  }
0x43: {  	_ =	shalt  }
0x44: {  	_ =	shalt  }
0x45: {  	_ =	shalt  }
0x46: {  	_ =	shalt  }
0x47: {  	_ =	shalt  }
0x48: {  	_ =	shalt  }
0x49: {  	_ =	shalt  }
0x4a: {  	_ =	shalt  }
0x4b: {  	_ =	shalt  }
0x4c: {  	_ =	shalt  }
0x4d: {  	_ =	shalt  }
0x4e: {  	_ =	shalt  }
0x4f: {  	_ =	shalt  }
0x50: {  	_ =	shalt  }
0x51: {  	_ =	shalt  }
0x52: {  	_ =	shalt  }
0x53: {  	_ =	shalt  }
0x54: {  	_ =	shalt  }
0x55: {  	_ =	shalt  }
0x56: {  	_ =	shalt  }
0x57: {  	_ =	shalt  }
0x58: {  	_ =	shalt  }
0x59: {  	_ =	shalt  }
0x5a: {  	_ =	shalt  }
0x5b: {  	_ =	shalt  }
0x5c: {  	_ =	shalt  }
0x5d: {  	_ =	shalt  }
0x5e: {  	_ =	shalt  }
0x5f: {  	_ =	shalt  }
0x60: {  	_ =	shalt  }
0x61: {  	_ =	shalt  }
0x62: {  	_ =	shalt  }
0x63: {  	_ =	shalt  }
0x64: {  	_ =	shalt  }
0x65: {  	_ =	shalt  }
0x66: {  	_ =	shalt  }
0x67: {  	_ =	shalt  }
0x68: {  	_ =	shalt  }
0x69: {  	_ =	shalt  }
0x6a: {  	_ =	shalt  }
0x6b: {  	_ =	shalt  }
0x6c: {  	_ =	shalt  }
0x6d: {  	_ =	shalt  }
0x6e: {  	_ =	shalt  }
0x6f: {  	_ =	shalt  }
0x70: {  	_ =	shalt  }
0x71: {  	_ =	shalt  }
0x72: {  	_ =	shalt  }
0x73: {  	_ =	shalt  }
0x74: {  	_ =	shalt  }
0x75: {  	_ =	shalt  }
0x76: {  	_ =	shalt  }
0x77: {  	_ =	shalt  }
0x78: {  	_ =	shalt  }
0x79: {  	_ =	shalt  }
0x7a: {  	_ =	shalt  }
0x7b: {  	_ =	shalt  }
0x7c: {  	_ =	shalt  }
0x7d: {  	_ =	shalt  }
0x7e: {  	_ =	shalt  }
0x7f: {  	_ =	shalt  }
0x80: {  	_ =	shalt  }
0x81: {  	_ =	shalt  }
0x82: {  	_ =	shalt  }
0x83: {  	_ =	shalt  }
0x84: {  	_ =	shalt  }
0x85: {  	_ =	shalt  }
0x86: {  	_ =	shalt  }
0x87: {  	_ =	shalt  }
.Lfunc_end0:
.L_simem_size_0:
called_computation_lowered:
.L_overlay_start_0:
0x88: {  	s2 =	sld [smem:$0x3FD9]  }
0x89: {  	s3 =	sld [smem:$0x3FFE];
	_ =	sdelay $0x1  }
0x8a: {  	s1 =	srdreg.scid  }
0x8b: {  	s0 =	sand.u32 $0x1, s1  }
0x8c: {  	s15 =	sshll.u32 s0, $0xA;
	s2 =	sadd.s32 s3, s2  }
0x8d: {  	s2 =	sadd.s32 s2, s15  }
0x8e: {  	[smem:$0x3FC5] =	sst s2  }
0x8f: {  	_ = 	snop  }
0x90: {  	s2 =	sld [smem:$0x3FD0]  }
0x91: {  	s16 =	sld [smem:$0x3FC9]  }
0x92: {  	s4 =	sld [smem:$0x3FC8]  }
0x93: {  	s6 =	simm.s32 $0xA;
	s7 =	simm.s32 $0x10;
	s5 =	sld [smem:$0x3FC7]  }
0x94: {  	[smem:s7], [sflag:s6] =	dma.local [hbm:s2], $0x1  }
0x95: {  	_ =	swait.eq [sflag:s6], $0x1  }
0x96: {  	[sflag:s6] =	ssyncset.done $0x0  }
0x97: {  	s17 =	sld [smem:$0x10];
	[sflag:s6] =	ssyncadd.s32 $0xFFFFFFFF  }
0x98: {  	s18 =	sld [smem:$0x11];
	(tm) =	ssettm $0x1  }
0x99: {  	s19 =	sld [smem:$0x3FFB];
	_ =	sdelay $0x3  }
0x9a: {  	_ =	strace s19  }
0x9b: {  	s7 =	sld [smem:$0x3FFC];
	_ =	sdelay $0x3  }
0x9c: {  	_ =	strace s7  }
0x9d: {  	s7 =	sld [smem:$0x3FFD];
	_ =	sdelay $0x3  }
0x9e: {  	_ =	strace s7  }
0x9f: {  	_ =	strace $0x8FFFFFFF  }
0xa0: {  	s20 =	sld [smem:$0x3FDB];
	_ =	sdelay $0x1  }
0xa1: {  	s8 =	simm.s32 $_scs_section_size  }
0xa2: {  	s9 =	simm.s32 $_size__tile_overlayer_lowered;
	s10 =	simm.s32 $_tile_overlayer_lowered  }
0xa3: {  	s23 =	simm.s32 $0x1BFF;
	s22 =	sshll.u32 s10, $0x1;
	s7 =	sadd.s32 s8, s20  }
0xa4: {  	s11 =	simm.s32 $0x0;
	s21 =	sshll.u32 s9, $0x1;
	s9 =	sadd.s32 s22, s7  }
0xa5: {  	[timem:s11], [sflag:s23] =	dma.local [hbm:s9], s21  }
0xa6: {  	_ =	swait.ge [sflag:s23], s21  }
0xa7: {  	s8 =	ssub.s32 $0x0, s21;
	[sflag:s23] =	ssyncset.done $0x0  }
0xa8: {  	[sflag:s23] =	ssyncadd.s32 s8;
	_ =	sdelay $0x1  }
0xa9: {  	s24 =	simm.s32 $0x1B8B  }
0xaa: {  	_ =	swait.ge [sflag:s24], $0x1  }
0xab: {  	[sflag:s24] =	ssyncset.done $0x0  }
0xac: {  	s25 =	simm.s32 $0x1B8E;
	[sflag:s24] =	ssyncadd.s32 $0xFFFFFFFF  }
0xad: {  	s26 =	simm.s32 $execute0_lowered;
	[smem:$0x3FD2] =	sst s25  }
0xae: {  	s8 =	sshll.u32 s26, $0x1;
	_ =	strace $0x80000046;
	[dreg:$0x1] =	wrdreg $0xFFFFFFFF  }
0xaf: {  	s28 =	simm.s32 $_size_execute0_lowered;
	s7 =	sadd.s32 s7, s8;
	[dreg:$0x0] =	wrdreg $0x0  }
0xb0: {  	s8 =	sshll.u32 s28, $0x1;
	[dreg:$0x2] =	wrdreg s7  }
0xb1: {  	[dreg:$0x3] =	wrdreg s8  }
0xb2: {  	[dreg:$0x4] =	wrdreg $0xC0  }
0xb3: {  	_ =	task [dreg:s11], $0x5FFFF  }
0xb4: {  	[dreg:$0x1] =	wrdreg $0xFFFFFFFF  }
0xb5: {  	[dreg:$0x0] =	wrdreg $0x60  }
0xb6: {  	[dreg:$0x2] =	wrdreg s16  }
0xb7: {  	[dreg:$0x3] =	wrdreg s4  }
0xb8: {  	[dreg:$0x4] =	wrdreg s5  }
0xb9: {  	[dreg:$0x5] =	wrdreg s17  }
0xba: {  	[dreg:$0x6] =	wrdreg s18  }
0xbb: {  	[dreg:$0x7] =	wrdreg $0x9  }
0xbc: {  	_ =	task.clear_ibuf [dreg:s11], $0x8FFFF;
	_ =	strace $0x90000046  }
0xbd: {  	s29 =	simm.s32 $0x9;
	_ =	strace $0x80000048  }
0xbe: {  	_ =	swait.ge [sflag:s29], $0x1  }
0xbf: {  	[sflag:s29] =	ssyncadd.s32 $0xFFFFFFFF  }
0xc0: {  	_ =	strace $0x90000048  }
0xc1: {  	_ =	sfence  }
0xc2: {  	s30 =	sld [smem:$0x0];
	_ =	sdelay $0x2  }
0xc3: {  	s31 =	sshll.u32 s1, $0xD;
	s1 =	sshrl.u32 s1, $0x2  }
0xc4: {  	s3 =	sand.u32 $0x4000, s31;
	s1 =	sadd.s32 s1, s30  }
0xc5: {  	s0 =	sor.u32 s3, s0;
	s1 =	sshll.u32 s1, $0x11  }
0xc6: {  	s0 =	sor.u32 s1, s0  }
0xc7: {  	s0 =	sadd.s32 $0x8F2B, s0  }
0xc8: {  	[sflag:s0] =	ssyncadd.remote.s32 $0x1  }
0xc9: {  	_ =	sfence.sel $0xFFFF  }
0xca: {  	[dreg:$0x0] =	wrdreg $0xFFFFFFFF;
	(pc) =	sbr.abs _section_cstart, $3  }
0xcb: {  	[dreg:$0x1] =	wrdreg $0xFFFFFFFF  }
0xcc: {  	_ =	task.clear_ibuf [dreg:s11], $0x2FFFF;
	_ =	strace $0x9FFFFFFF  }
0xcd: {  	(tm) =	ssettm $0x7FFFFFFF  }
tec
execute0_lowered:
.L_overlay_start_1:
0x0: {  	(tag) =	ssettag $0x1  }
0x1: {  	s1 =	rddreg [dreg:$0x0]  }
0x2: {  	s4 =	rddreg [dreg:$0x1]  }
0x3: {  	s5 =	rddreg [dreg:$0x2]  }
0x4: {  	s2 =	srdreg.scid;
	s0 =	stileid.u32  }
0x5: {  	s17 =	rddreg [dreg:$0x3];
	s19 =	sand.u32 $0x1, s2;
	s6 =	sshll.u32 s0, $0x1  }
0x6: {  	s18 =	rddreg [dreg:$0x4];
	s3 =	simm.s32 $0x0;
	s15 =	sor.u32 s19, s6  }
0x7: {  	[smem:$0x7FF] =	sst s3;
	s6 =	sshll.u32 s15, $0x5  }
0x8: {  	s2 =	rddreg [dreg:$0x5];
	_ =	strace $0x80000047;
	s4 =	sadd.s32 s4, s6  }
0x9: {  	[tilespmem:s3], [sflag:$0x2] =	stream.linear.gather [hbm4b:s4+s3], $0x100, $0x38;
	[tilespmem:$0x10200] =	vst v63  }
0xa: {  	s7 =	simm.s32 $0x100;
	s5 =	sadd.s32 s5, s6;
	s6 =	simm.s32 $0x2  }
0xb: {  	[tilespmem:s7], [sflag:$0x2] =	stream.linear.gather [hbm4b:s5+s3], $0x100, $0x38;
	[tilespmem:$0x10200] =	vst v63  }
0xc: {  	_ =	swait.ge [sflag:s6], $0x100  }
0xd: {  	[sflag:s6] =	ssyncset.done $0x0  }
0xe: {  	[sflag:s6] =	ssyncadd.s32 $0xFFFFFF00  }
0xf: {  	_ =	swait.ge [sflag:s6], $0x100  }
0x10: {  	[sflag:s6] =	ssyncset.done $0x0  }
0x11: {  	s8 =	simm.s32 $0x80;
	s9 =	simm.s32 $0x200;
	[sflag:s6] =	ssyncadd.s32 $0xFFFFFF00  }
0x12: {  	[tilespmem:s9], [sflag:$0x1] =	stream.indirect.gather [hbm4b:s1+s8], $0x80, s3, s8, $0xb8;
	[tilespmem:$0x10200] =	vst v63  }
0x13: {  	s10 =	simm.s32 $0x8200  }
0x14: {  	[tilespmem:s10], [sflag:$0x1] =	stream.indirect.gather [hbm4b:s1+s8], $0x80, s7, s8, $0xb8;
	[tilespmem:$0x10200] =	vst v63  }
0x15: {  	s11 =	simm.s32 $0x4200  }
0x16: {  	[tilespmem:s11], [sflag:$0x1] =	stream.indirect.gather [hbm4b:s1+s8], $0x80, s8, s8, $0xb8;
	[tilespmem:$0x10200] =	vst v63  }
0x17: {  	s12 =	simm.s32 $0x180;
	s13 =	simm.s32 $0xC200;
	s14 =	simm.s32 $0x1  }
0x18: {  	[tilespmem:s13], [sflag:$0x1] =	stream.indirect.gather [hbm4b:s1+s8], $0x80, s12, s8, $0xb8;
	[tilespmem:$0x10200] =	vst v63  }
0x19: {  	_ =	swait.ge [sflag:s14], $0x4000  }
0x1a: {  	s20 =	sshll.u32 s15, $0xC;
	[sflag:s14] =	ssyncset.done $0x0  }
0x1b: {  	s15 =	sadd.s32 s17, s20;
	[sflag:s14] =	ssyncadd.s32 $0xFFFFC000  }
0x1c: {  	[hbm4b:s15+s3] =	stream.linear.scatter [tilespmem:s9], [sflag:$0x2], $0x4000, $0x38;
	[tilespmem:$0x10200] =	vst v63  }
0x1d: {  	_ =	swait.ge [sflag:s14], $0x4000  }
0x1e: {  	[sflag:s14] =	ssyncset.done $0x0  }
0x1f: {  	s16 =	sadd.s32 s18, s20;
	[sflag:s14] =	ssyncadd.s32 $0xFFFFC000  }
0x20: {  	[hbm4b:s16+s3] =	stream.linear.scatter [tilespmem:s10], [sflag:$0x2], $0x4000, $0x38;
	[tilespmem:$0x10200] =	vst v63  }
0x21: {  	_ =	swait.ge [sflag:s14], $0x4000  }
0x22: {  	s20 =	sor.u32 $0x800, s20;
	[sflag:s14] =	ssyncset.done $0x0  }
0x23: {  	s17 =	sadd.s32 s17, s20;
	[sflag:s14] =	ssyncadd.s32 $0xFFFFC000  }
0x24: {  	[hbm4b:s17+s3] =	stream.linear.scatter [tilespmem:s11], [sflag:$0x2], $0x4000, $0x38;
	[tilespmem:$0x10200] =	vst v63  }
0x25: {  	_ =	swait.ge [sflag:s14], $0x4000  }
0x26: {  	[sflag:s14] =	ssyncset.done $0x0  }
0x27: {  	s18 =	sadd.s32 s18, s20;
	[sflag:s14] =	ssyncadd.s32 $0xFFFFC000  }
0x28: {  	[hbm4b:s18+s3] =	stream.linear.scatter [tilespmem:s13], [sflag:$0x2], $0x4000, $0x38;
	[tilespmem:$0x10200] =	vst v63  }
0x29: {  	_ =	swait.ge [sflag:s6], $0x4000  }
0x2a: {  	s19 =	ssub.s32 $0x2, s19;
	[sflag:s6] =	ssyncset.done $0x0  }
0x2b: {  	s31 =	sshrl.u32 s19, $0x1;
	[sflag:s6] =	ssyncadd.s32 $0xFFFFC000  }
0x2c: {  	s19 =	ssub.s32 s19, s31;
	_ =	swait.ge [sflag:s6], $0x4000  }
0x2d: {  	s19 =	smax.u32 s19, $0x1;
	[sflag:s6] =	ssyncset.done $0x0  }
0x2e: {  	p0 =	sne.s32 s19, $0x1;
	[sflag:s6] =	ssyncadd.s32 $0xFFFFC000  }
.Ltmp0:
0x2f: {  	_ =	swait.ge [sflag:s6], $0x4000;
	(pc) =	sbr.rel @!p0 .LBB2_2-.Ltmp0, $4  }
0x30: {  	[sflag:s6] =	ssyncset.done $0x0  }
0x31: {  	[sflag:s6] =	ssyncadd.s32 $0xFFFFC000  }
0x32: {  	_ =	swait.ge [sflag:s6], $0x4000  }
0x33: {  	s19 =	sadd.s32 $0xFFFFFFFF, s19;
	[sflag:s6] =	ssyncset.done $0x0  }
.LBB2_1:
0x34: {  	p0 =	sne.s32 s19, $0x1;
	s19 =	sadd.s32 $0xFFFFFFFF, s19;
	[sflag:s6] =	ssyncadd.s32 $0xFFFFC000  }
0x35: {  	[tilespmem:s3], [sflag:$0x2] =	stream.linear.gather [hbm4b:s4+s3], $0x100, $0x38;
	[tilespmem:$0x10200] =	vst v63  }
0x36: {  	_ = 	snop  }
0x37: {  	[tilespmem:s7], [sflag:$0x2] =	stream.linear.gather [hbm4b:s5+s3], $0x100, $0x38;
	[tilespmem:$0x10200] =	vst v63  }
0x38: {  	_ =	swait.ge [sflag:s6], $0x100  }
0x39: {  	[sflag:s6] =	ssyncset.done $0x0  }
0x3a: {  	[sflag:s6] =	ssyncadd.s32 $0xFFFFFF00  }
0x3b: {  	_ =	swait.ge [sflag:s6], $0x100  }
0x3c: {  	[sflag:s6] =	ssyncset.done $0x0  }
0x3d: {  	[sflag:s6] =	ssyncadd.s32 $0xFFFFFF00  }
0x3e: {  	[tilespmem:s9], [sflag:$0x1] =	stream.indirect.gather [hbm4b:s1+s8], $0x80, s3, s8, $0xb8;
	[tilespmem:$0x10200] =	vst v63  }
0x3f: {  	_ = 	snop  }
0x40: {  	[tilespmem:s10], [sflag:$0x1] =	stream.indirect.gather [hbm4b:s1+s8], $0x80, s7, s8, $0xb8;
	[tilespmem:$0x10200] =	vst v63  }
0x41: {  	_ = 	snop  }
0x42: {  	[tilespmem:s11], [sflag:$0x1] =	stream.indirect.gather [hbm4b:s1+s8], $0x80, s8, s8, $0xb8;
	[tilespmem:$0x10200] =	vst v63  }
0x43: {  	_ = 	snop  }
0x44: {  	[tilespmem:s13], [sflag:$0x1] =	stream.indirect.gather [hbm4b:s1+s8], $0x80, s12, s8, $0xb8;
	[tilespmem:$0x10200] =	vst v63  }
0x45: {  	_ =	swait.ge [sflag:s14], $0x4000  }
0x46: {  	[sflag:s14] =	ssyncset.done $0x0  }
0x47: {  	[sflag:s14] =	ssyncadd.s32 $0xFFFFC000  }
0x48: {  	[hbm4b:s15+s3] =	stream.linear.scatter [tilespmem:s9], [sflag:$0x2], $0x4000, $0x38;
	[tilespmem:$0x10200] =	vst v63  }
0x49: {  	_ =	swait.ge [sflag:s14], $0x4000  }
0x4a: {  	[sflag:s14] =	ssyncset.done $0x0  }
0x4b: {  	[sflag:s14] =	ssyncadd.s32 $0xFFFFC000  }
0x4c: {  	[hbm4b:s16+s3] =	stream.linear.scatter [tilespmem:s10], [sflag:$0x2], $0x4000, $0x38;
	[tilespmem:$0x10200] =	vst v63  }
0x4d: {  	_ =	swait.ge [sflag:s14], $0x4000  }
0x4e: {  	[sflag:s14] =	ssyncset.done $0x0  }
0x4f: {  	[sflag:s14] =	ssyncadd.s32 $0xFFFFC000  }
0x50: {  	[hbm4b:s17+s3] =	stream.linear.scatter [tilespmem:s11], [sflag:$0x2], $0x4000, $0x38;
	[tilespmem:$0x10200] =	vst v63  }
0x51: {  	_ =	swait.ge [sflag:s14], $0x4000  }
0x52: {  	[sflag:s14] =	ssyncset.done $0x0  }
0x53: {  	[sflag:s14] =	ssyncadd.s32 $0xFFFFC000  }
0x54: {  	[hbm4b:s18+s3] =	stream.linear.scatter [tilespmem:s13], [sflag:$0x2], $0x4000, $0x38;
	[tilespmem:$0x10200] =	vst v63  }
0x55: {  	_ =	swait.ge [sflag:s6], $0x4000  }
0x56: {  	[sflag:s6] =	ssyncset.done $0x0  }
0x57: {  	[sflag:s6] =	ssyncadd.s32 $0xFFFFC000  }
0x58: {  	_ =	swait.ge [sflag:s6], $0x4000  }
0x59: {  	[sflag:s6] =	ssyncset.done $0x0  }
0x5a: {  	[sflag:s6] =	ssyncadd.s32 $0xFFFFC000  }
.Ltmp1:
0x5b: {  	_ =	swait.ge [sflag:s6], $0x4000;
	(pc) =	sbr.rel @p0 .LBB2_1-.Ltmp1, $4  }
0x5c: {  	[sflag:s6] =	ssyncset.done $0x0  }
0x5d: {  	[sflag:s6] =	ssyncadd.s32 $0xFFFFC000  }
0x5e: {  	_ =	swait.ge [sflag:s6], $0x4000  }
0x5f: {  	[sflag:s6] =	ssyncset.done $0x0  }
.LBB2_2:
0x60: {  	[sflag:s6] =	ssyncadd.s32 $0xFFFFC000  }
0x61: {  	_ =	sfence.sel $0x180000  }
0x62: {  	[bflag:$0x0] =	sbarrier.arrive $0xFFFF  }
0x63: {  	p0 =	sne.s32 s0, $0x0;
	_ =	strace $0x90000047  }
0x64: {  	s0 =	sadd.s32 @!p0 $0x100000, s2;
	[bflag:$0x2] =	sbarrier.arrive $0xFFFF  }
0x65: {  	[sflag:s0] =	ssyncadd.tile.s32 @!p0 $0x1;
	_ =	shalt  }
.Lfunc_end2:
_tile_overlayer_lowered:
.L_overlay_start_2:
0x66: {  	(tag) =	ssettag $0x2  }
0x67: {  	s0 =	rddreg [dreg:$0x0];
	s2 =	stileid.u32  }
0x68: {  	s1 =	rddreg [dreg:$0x1];
	p0 =	sne.s32 s2, $0x0  }
0x69: {  	s3 =	rddreg [dreg:$0x2];
	[bflag:$0x3] =	sbarrier.arrive $0xFFFF;
	s2 =	simm.s32 @!p0 $0x1C03  }
0x6a: {  	[timem:s3], [sflag:s2] =	dma.local @!p0 [hbm:s0], s1  }
0x6b: {  	s0 =	simm.s32 @!p0 $0x3  }
0x6c: {  	_ =	swait.ge @!p0 [sflag:s0], s1  }
0x6d: {  	s1 =	ssub.s32 @!p0 $0x0, s1;
	[sflag:s0] =	ssyncset.done @!p0 $0x0  }
0x6e: {  	[sflag:s0] =	ssyncadd.s32 @!p0 s1  }
0x6f: {  	[bflag:$0x3] =	sbarrier.arrive $0xFFFF  }
0x70: {  	_ =	shalt  }

</sc_bundles>
